<compile_context>
chip_gen: v7x
topology: tpu7x:2x2x1
jax: 0.10.2.dev20260603
libtpu: 0.0.44.dev20260713+nightly
codegen_flags: <defaults>
</compile_context>

<pallas_src>
import functools

import jax
import jax.numpy as jnp
from jax import lax
from jax.experimental import pallas as pl
from jax.experimental.pallas import tpu as pltpu
from jax.experimental.pallas import tpu_sc as plsc

_F = 26
_V = 100000
_E = 32
_B = 16384
_NC, _NS = 2, 16
_NW = _NC * _NS
_Q = _B // 4

_mesh = plsc.VectorSubcoreMesh(core_axis_name="c", subcore_axis_name="s")


@functools.partial(
    pl.kernel,
    out_type=jax.ShapeDtypeStruct((_F * _E, _B), jnp.float32),
    mesh=_mesh,
    scratch_types=[
        pltpu.VMEM((_V,), jnp.float32),
        pltpu.VMEM((_B,), jnp.int32),
        pltpu.VMEM((2, _Q), jnp.float32),
        pltpu.SemaphoreType.DMA,
        pltpu.SemaphoreType.DMA((2,)),
    ],
    compiler_params=pltpu.CompilerParams(needs_layout_passes=False),
)
def _sc_lookup(tab_hbm, fam_hbm, out_hbm, row_v, idx_v, col_v, in_sem, out_sem):
    w = lax.axis_index("s") * _NC + lax.axis_index("c")

    def per_field(f, carry):
        c = f * _E + w
        row_cp = pltpu.make_async_copy(tab_hbm.at[f, w], row_v, in_sem)
        idx_cp = pltpu.make_async_copy(fam_hbm.at[f], idx_v, in_sem)
        row_cp.start()
        idx_cp.start()
        row_cp.wait()
        idx_cp.wait()

        def out_desc(q, slot):
            return pltpu.make_async_copy(
                col_v.at[slot], out_hbm.at[c, pl.ds(q * _Q, _Q)], out_sem.at[slot])

        for q in range(4):
            slot = q % 2
            if q >= 2:
                out_desc(q - 2, slot).wait()

            @plsc.parallel_loop(0, _Q // 16, unroll=8)
            def _gather(i, q=q, slot=slot):
                vidx = idx_v[pl.ds(q * _Q + i * 16, 16)]
                col_v[slot, pl.ds(i * 16, 16)] = plsc.load_gather(row_v, [vidx])

            out_desc(q, slot).start()

        out_desc(2, 0).wait()
        out_desc(3, 1).wait()
        return carry

    lax.fori_loop(0, _F, per_field, 0)


def kernel(families, tables):
    tab_t = jnp.transpose(tables, (0, 2, 1))
    out_t = _sc_lookup(tab_t, families.astype(jnp.int32))
    return out_t.T

# --- scband reference (transcript-rebuilt; emitter-appended) ---
"""Pipeline reference for scband-family-encoder-2602750181934 (READ-ONLY COPY).

The authoritative reference and input builder live on the scoring server;
editing this copy changes nothing except your own understanding.
"""

import jax, jax.numpy as jnp
import numpy as np

N_FIELDS = 26
VOCAB = 100000
EMBED = 32
BATCH = 16384


def setup_inputs(seed: int = 0) -> dict:
    key = jax.random.key(seed)
    k1, k2 = jax.random.split(key)
    families = jax.random.randint(k1, (N_FIELDS, BATCH), 0, VOCAB, dtype=jnp.int64 if jax.config.jax_enable_x64 else jnp.int32)
    tables = jax.random.normal(k2, (N_FIELDS, VOCAB, EMBED), dtype=jnp.float32)
    return {"families": families, "tables": tables}


def reference(families, tables):
    # Equivalent to: parts = [emb_i(families[i]) for i in range(N_FIELDS)]; cat(parts, dim=-1)
    parts = jax.vmap(lambda tab, idx: jnp.take(tab, idx, axis=0))(tables, families)  # (F, B, E)
    out = jnp.transpose(parts, (1, 0, 2)).reshape(parts.shape[1], N_FIELDS * EMBED)  # (B, F*E)
    return out

if __name__ == "__main__":
    import jax
    _d = setup_inputs()
    print(jax.jit(kernel)(*tuple(_d.values())))

</pallas_src>

<mosaic_0001>
#map = affine_map<(d0, d1) -> (0, 0, 0)>
#map1 = affine_map<(d0, d1) -> (0, 0)>
module attributes {stable_mosaic.version = 14 : i64} {
  func.func @_sc_lookup(%arg0: i32, %arg1: i32, %arg2: memref<26x32x100000xf32, #tpu.memory_space<hbm>>, %arg3: memref<26x16384xi32, #tpu.memory_space<hbm>>, %arg4: memref<832x16384xf32, #tpu.memory_space<hbm>>, %arg5: memref<100000xf32, #tpu.memory_space<vmem>>, %arg6: memref<16384xi32, #tpu.memory_space<vmem>>, %arg7: memref<2x4096xf32, #tpu.memory_space<vmem>>, %arg8: memref<!tpu.dma_semaphore, #tpu.memory_space<semaphore_mem>>, %arg9: memref<2x!tpu.dma_semaphore, #tpu.memory_space<semaphore_mem>>) attributes {dimension_semantics = [#tpu.dimension_semantics<core_parallel>, #tpu.dimension_semantics<subcore_parallel>], iteration_bounds = array<i64: 2, 16>, scalar_prefetch = 0 : i64, scratch_operands = 5 : i64, tpu.core_type = #tpu.core_type<sc_vector_subcore>, window_params = [{transform_indices = #map}, {transform_indices = #map1}, {transform_indices = #map1}]} {
    %mul3A = arith.constant 2 : i32
    %mul3A_0 = arith.muli %arg1, %mul3A : i32
    %add3A = arith.addi %mul3A_0, %arg0 : i32
    %scan3A = arith.constant 0 : i32
    %scan3A_1 = arith.constant 0 : i32
    %scan3A_2 = arith.constant 26 : i32
    %scan3A_3 = arith.addi %scan3A_1, %scan3A_2 : i32
    %scan3A_4 = arith.constant 1 : i32
    scf.for %scan3A_6 = %scan3A_1 to %scan3A_3 step %scan3A_4  : i32 {
      %mul3A_7 = arith.constant 32 : i32
      %mul3A_8 = arith.muli %scan3A_6, %mul3A_7 : i32
      %add3A_9 = arith.addi %mul3A_8, %add3A : i32
      %dma_start3A = arith.constant 0 : i32
      %dma_start3A_10 = tpu.memref_slice %arg2[%scan3A_6, %add3A, %dma_start3A] : memref<26x32x100000xf32, #tpu.memory_space<hbm>> -> memref<1x1x100000xf32, #tpu.memory_space<hbm>>
      %dma_start3A_11 = tpu.memref_squeeze %dma_start3A_10 : memref<1x1x100000xf32, #tpu.memory_space<hbm>> -> memref<100000xf32, #tpu.memory_space<hbm>>
      %dma_start3A_12 = arith.constant 0 : i32
      %dma_start3A_13 = tpu.memref_slice %arg2[%scan3A_6, %add3A, %dma_start3A_12] : memref<26x32x100000xf32, #tpu.memory_space<hbm>> -> memref<1x1x100000xf32, #tpu.memory_space<hbm>>
      %dma_start3A_14 = tpu.memref_squeeze %dma_start3A_13 : memref<1x1x100000xf32, #tpu.memory_space<hbm>> -> memref<100000xf32, #tpu.memory_space<hbm>>
      tpu.enqueue_dma source(%dma_start3A_14 : memref<100000xf32, #tpu.memory_space<hbm>>) target(%arg5 : memref<100000xf32, #tpu.memory_space<vmem>>) target_semaphore(%arg8 : memref<!tpu.dma_semaphore, #tpu.memory_space<semaphore_mem>>)
      %dma_start3A_15 = arith.constant 0 : i32
      %dma_start3A_16 = tpu.memref_slice %arg3[%scan3A_6, %dma_start3A_15] : memref<26x16384xi32, #tpu.memory_space<hbm>> -> memref<1x16384xi32, #tpu.memory_space<hbm>>
      %dma_start3A_17 = tpu.memref_squeeze %dma_start3A_16 : memref<1x16384xi32, #tpu.memory_space<hbm>> -> memref<16384xi32, #tpu.memory_space<hbm>>
      %dma_start3A_18 = arith.constant 0 : i32
      %dma_start3A_19 = tpu.memref_slice %arg3[%scan3A_6, %dma_start3A_18] : memref<26x16384xi32, #tpu.memory_space<hbm>> -> memref<1x16384xi32, #tpu.memory_space<hbm>>
      %dma_start3A_20 = tpu.memref_squeeze %dma_start3A_19 : memref<1x16384xi32, #tpu.memory_space<hbm>> -> memref<16384xi32, #tpu.memory_space<hbm>>
      tpu.enqueue_dma source(%dma_start3A_20 : memref<16384xi32, #tpu.memory_space<hbm>>) target(%arg6 : memref<16384xi32, #tpu.memory_space<vmem>>) target_semaphore(%arg8 : memref<!tpu.dma_semaphore, #tpu.memory_space<semaphore_mem>>)
      %dma_wait3A = arith.constant 0 : i32
      %dma_wait3A_21 = tpu.memref_slice %arg2[%scan3A_6, %add3A, %dma_wait3A] : memref<26x32x100000xf32, #tpu.memory_space<hbm>> -> memref<1x1x100000xf32, #tpu.memory_space<hbm>>
      %dma_wait3A_22 = tpu.memref_squeeze %dma_wait3A_21 : memref<1x1x100000xf32, #tpu.memory_space<hbm>> -> memref<100000xf32, #tpu.memory_space<hbm>>
      %dma_wait3A_23 = arith.constant 0 : i32
      %dma_wait3A_24 = tpu.memref_slice %arg2[%scan3A_6, %add3A, %dma_wait3A_23] : memref<26x32x100000xf32, #tpu.memory_space<hbm>> -> memref<1x1x100000xf32, #tpu.memory_space<hbm>>
      %dma_wait3A_25 = tpu.memref_squeeze %dma_wait3A_24 : memref<1x1x100000xf32, #tpu.memory_space<hbm>> -> memref<100000xf32, #tpu.memory_space<hbm>>
      tpu.wait_dma2 semaphore(%arg8 : memref<!tpu.dma_semaphore, #tpu.memory_space<semaphore_mem>>) src(%dma_wait3A_25 : memref<100000xf32, #tpu.memory_space<hbm>>) dst(%arg5 : memref<100000xf32, #tpu.memory_space<vmem>>)
      %dma_wait3A_26 = arith.constant 0 : i32
      %dma_wait3A_27 = tpu.memref_slice %arg3[%scan3A_6, %dma_wait3A_26] : memref<26x16384xi32, #tpu.memory_space<hbm>> -> memref<1x16384xi32, #tpu.memory_space<hbm>>
      %dma_wait3A_28 = tpu.memref_squeeze %dma_wait3A_27 : memref<1x16384xi32, #tpu.memory_space<hbm>> -> memref<16384xi32, #tpu.memory_space<hbm>>
      %dma_wait3A_29 = arith.constant 0 : i32
      %dma_wait3A_30 = tpu.memref_slice %arg3[%scan3A_6, %dma_wait3A_29] : memref<26x16384xi32, #tpu.memory_space<hbm>> -> memref<1x16384xi32, #tpu.memory_space<hbm>>
      %dma_wait3A_31 = tpu.memref_squeeze %dma_wait3A_30 : memref<1x16384xi32, #tpu.memory_space<hbm>> -> memref<16384xi32, #tpu.memory_space<hbm>>
      tpu.wait_dma2 semaphore(%arg8 : memref<!tpu.dma_semaphore, #tpu.memory_space<semaphore_mem>>) src(%dma_wait3A_31 : memref<16384xi32, #tpu.memory_space<hbm>>) dst(%arg6 : memref<16384xi32, #tpu.memory_space<vmem>>)
      %parallel_loop3A = arith.constant 0 : i32
      %parallel_loop3A_32 = arith.constant 256 : i32
      %parallel_loop3A_33 = arith.constant 1 : i32
      scf.for %parallel_loop3A_171 = %parallel_loop3A to %parallel_loop3A_32 step %parallel_loop3A_33  : i32 {
        %parallel_loop3A_172 = arith.constant 16 : i32
        %parallel_loop3A_173 = arith.muli %parallel_loop3A_171, %parallel_loop3A_172 : i32
        %parallel_loop3A_174 = arith.constant 0 : i32
        %parallel_loop3A_175 = arith.addi %parallel_loop3A_174, %parallel_loop3A_173 : i32
        %parallel_loop3A_176 = arith.index_cast %parallel_loop3A_175 : i32 to index
        %parallel_loop3A_177 = tpu.vector_load %arg6[%parallel_loop3A_176] {strides = array<i32>} : memref<16384xi32, #tpu.memory_space<vmem>>, vector<16xi32>,
        %parallel_loop3A_178 = tpu.vector_load_idx %arg5[%parallel_loop3A_177] : memref<100000xf32, #tpu.memory_space<vmem>>[vector<16xi32>], vector<16xf32>,
        %parallel_loop3A_179 = arith.constant 16 : i32
        %parallel_loop3A_180 = arith.muli %parallel_loop3A_171, %parallel_loop3A_179 : i32
        %parallel_loop3A_181 = arith.constant 0 : i32
        %parallel_loop3A_182 = arith.index_cast %parallel_loop3A_181 : i32 to index
        %parallel_loop3A_183 = arith.index_cast %parallel_loop3A_180 : i32 to index
        %parallel_loop3A_184 = tpu.vector_load %arg7[%parallel_loop3A_182, %parallel_loop3A_183] {strides = array<i32>} : memref<2x4096xf32, #tpu.memory_space<vmem>>, vector<16xf32>,
        tpu.vector_store %arg7[%parallel_loop3A_182, %parallel_loop3A_183], %parallel_loop3A_178 {strides = array<i32>} : memref<2x4096xf32, #tpu.memory_space<vmem>>, vector<16xf32>,
      } {sc.loop_unroll_factor = 8 : i64, sc.parallel_access}
      %dma_start3A_34 = arith.constant 0 : i32
      %dma_start3A_35 = arith.constant 0 : i32
      %dma_start3A_36 = arith.constant 0 : i32
      %dma_start3A_37 = tpu.memref_slice %arg7[%dma_start3A_34, %dma_start3A_36] : memref<2x4096xf32, #tpu.memory_space<vmem>> -> memref<1x4096xf32, #tpu.memory_space<vmem>>
      %dma_start3A_38 = tpu.memref_squeeze %dma_start3A_37 : memref<1x4096xf32, #tpu.memory_space<vmem>> -> memref<4096xf32, #tpu.memory_space<vmem>>
      %dma_start3A_39 = arith.constant 0 : i32
      %dma_start3A_40 = tpu.memref_slice %arg4[%add3A_9, %dma_start3A_39] : memref<832x16384xf32, #tpu.memory_space<hbm>> -> memref<1x4096xf32, #tpu.memory_space<hbm>>
      %dma_start3A_41 = tpu.memref_squeeze %dma_start3A_40 : memref<1x4096xf32, #tpu.memory_space<hbm>> -> memref<4096xf32, #tpu.memory_space<hbm>>
      %dma_start3A_42 = tpu.memref_slice %arg9[%dma_start3A_35] : memref<2x!tpu.dma_semaphore, #tpu.memory_space<semaphore_mem>> -> memref<1x!tpu.dma_semaphore, #tpu.memory_space<semaphore_mem>>
      %dma_start3A_43 = tpu.memref_squeeze %dma_start3A_42 : memref<1x!tpu.dma_semaphore, #tpu.memory_space<semaphore_mem>> -> memref<!tpu.dma_semaphore, #tpu.memory_space<semaphore_mem>>
      %dma_start3A_44 = arith.constant 0 : i32
      %dma_start3A_45 = tpu.memref_slice %arg4[%add3A_9, %dma_start3A_44] : memref<832x16384xf32, #tpu.memory_space<hbm>> -> memref<1x4096xf32, #tpu.memory_space<hbm>>
      %dma_start3A_46 = tpu.memref_squeeze %dma_start3A_45 : memref<1x4096xf32, #tpu.memory_space<hbm>> -> memref<4096xf32, #tpu.memory_space<hbm>>
      %dma_start3A_47 = arith.constant 0 : i32
      %dma_start3A_48 = tpu.memref_slice %arg7[%dma_start3A_34, %dma_start3A_47] : memref<2x4096xf32, #tpu.memory_space<vmem>> -> memref<1x4096xf32, #tpu.memory_space<vmem>>
      %dma_start3A_49 = tpu.memref_squeeze %dma_start3A_48 : memref<1x4096xf32, #tpu.memory_space<vmem>> -> memref<4096xf32, #tpu.memory_space<vmem>>
      tpu.enqueue_dma source(%dma_start3A_49 : memref<4096xf32, #tpu.memory_space<vmem>>) target(%dma_start3A_46 : memref<4096xf32, #tpu.memory_space<hbm>>) target_semaphore(%dma_start3A_43 : memref<!tpu.dma_semaphore, #tpu.memory_space<semaphore_mem>>)
      %parallel_loop3A_50 = arith.constant 0 : i32
      %parallel_loop3A_51 = arith.constant 256 : i32
      %parallel_loop3A_52 = arith.constant 1 : i32
      scf.for %parallel_loop3A_171 = %parallel_loop3A_50 to %parallel_loop3A_51 step %parallel_loop3A_52  : i32 {
        %parallel_loop3A_172 = arith.constant 16 : i32
        %parallel_loop3A_173 = arith.muli %parallel_loop3A_171, %parallel_loop3A_172 : i32
        %parallel_loop3A_174 = arith.constant 4096 : i32
        %parallel_loop3A_175 = arith.addi %parallel_loop3A_174, %parallel_loop3A_173 : i32
        %parallel_loop3A_176 = arith.index_cast %parallel_loop3A_175 : i32 to index
        %parallel_loop3A_177 = tpu.vector_load %arg6[%parallel_loop3A_176] {strides = array<i32>} : memref<16384xi32, #tpu.memory_space<vmem>>, vector<16xi32>,
        %parallel_loop3A_178 = tpu.vector_load_idx %arg5[%parallel_loop3A_177] : memref<100000xf32, #tpu.memory_space<vmem>>[vector<16xi32>], vector<16xf32>,
        %parallel_loop3A_179 = arith.constant 16 : i32
        %parallel_loop3A_180 = arith.muli %parallel_loop3A_171, %parallel_loop3A_179 : i32
        %parallel_loop3A_181 = arith.constant 1 : i32
        %parallel_loop3A_182 = arith.index_cast %parallel_loop3A_181 : i32 to index
        %parallel_loop3A_183 = arith.index_cast %parallel_loop3A_180 : i32 to index
        %parallel_loop3A_184 = tpu.vector_load %arg7[%parallel_loop3A_182, %parallel_loop3A_183] {strides = array<i32>} : memref<2x4096xf32, #tpu.memory_space<vmem>>, vector<16xf32>,
        tpu.vector_store %arg7[%parallel_loop3A_182, %parallel_loop3A_183], %parallel_loop3A_178 {strides = array<i32>} : memref<2x4096xf32, #tpu.memory_space<vmem>>, vector<16xf32>,
      } {sc.loop_unroll_factor = 8 : i64, sc.parallel_access}
      %dma_start3A_53 = arith.constant 1 : i32
      %dma_start3A_54 = arith.constant 1 : i32
      %dma_start3A_55 = arith.constant 0 : i32
      %dma_start3A_56 = tpu.memref_slice %arg7[%dma_start3A_53, %dma_start3A_55] : memref<2x4096xf32, #tpu.memory_space<vmem>> -> memref<1x4096xf32, #tpu.memory_space<vmem>>
      %dma_start3A_57 = tpu.memref_squeeze %dma_start3A_56 : memref<1x4096xf32, #tpu.memory_space<vmem>> -> memref<4096xf32, #tpu.memory_space<vmem>>
      %dma_start3A_58 = arith.constant 4096 : i32
      %dma_start3A_59 = tpu.memref_slice %arg4[%add3A_9, %dma_start3A_58] : memref<832x16384xf32, #tpu.memory_space<hbm>> -> memref<1x4096xf32, #tpu.memory_space<hbm>>
      %dma_start3A_60 = tpu.memref_squeeze %dma_start3A_59 : memref<1x4096xf32, #tpu.memory_space<hbm>> -> memref<4096xf32, #tpu.memory_space<hbm>>
      %dma_start3A_61 = tpu.memref_slice %arg9[%dma_start3A_54] : memref<2x!tpu.dma_semaphore, #tpu.memory_space<semaphore_mem>> -> memref<1x!tpu.dma_semaphore, #tpu.memory_space<semaphore_mem>>
      %dma_start3A_62 = tpu.memref_squeeze %dma_start3A_61 : memref<1x!tpu.dma_semaphore, #tpu.memory_space<semaphore_mem>> -> memref<!tpu.dma_semaphore, #tpu.memory_space<semaphore_mem>>
      %dma_start3A_63 = arith.constant 4096 : i32
      %dma_start3A_64 = tpu.memref_slice %arg4[%add3A_9, %dma_start3A_63] : memref<832x16384xf32, #tpu.memory_space<hbm>> -> memref<1x4096xf32, #tpu.memory_space<hbm>>
      %dma_start3A_65 = tpu.memref_squeeze %dma_start3A_64 : memref<1x4096xf32, #tpu.memory_space<hbm>> -> memref<4096xf32, #tpu.memory_space<hbm>>
      %dma_start3A_66 = arith.constant 0 : i32
      %dma_start3A_67 = tpu.memref_slice %arg7[%dma_start3A_53, %dma_start3A_66] : memref<2x4096xf32, #tpu.memory_space<vmem>> -> memref<1x4096xf32, #tpu.memory_space<vmem>>
      %dma_start3A_68 = tpu.memref_squeeze %dma_start3A_67 : memref<1x4096xf32, #tpu.memory_space<vmem>> -> memref<4096xf32, #tpu.memory_space<vmem>>
      tpu.enqueue_dma source(%dma_start3A_68 : memref<4096xf32, #tpu.memory_space<vmem>>) target(%dma_start3A_65 : memref<4096xf32, #tpu.memory_space<hbm>>) target_semaphore(%dma_start3A_62 : memref<!tpu.dma_semaphore, #tpu.memory_space<semaphore_mem>>)
      %dma_wait3A_69 = arith.constant 0 : i32
      %dma_wait3A_70 = arith.constant 0 : i32
      %dma_wait3A_71 = arith.constant 0 : i32
      %dma_wait3A_72 = tpu.memref_slice %arg7[%dma_wait3A_69, %dma_wait3A_71] : memref<2x4096xf32, #tpu.memory_space<vmem>> -> memref<1x4096xf32, #tpu.memory_space<vmem>>
      %dma_wait3A_73 = tpu.memref_squeeze %dma_wait3A_72 : memref<1x4096xf32, #tpu.memory_space<vmem>> -> memref<4096xf32, #tpu.memory_space<vmem>>
      %dma_wait3A_74 = arith.constant 0 : i32
      %dma_wait3A_75 = tpu.memref_slice %arg4[%add3A_9, %dma_wait3A_74] : memref<832x16384xf32, #tpu.memory_space<hbm>> -> memref<1x4096xf32, #tpu.memory_space<hbm>>
      %dma_wait3A_76 = tpu.memref_squeeze %dma_wait3A_75 : memref<1x4096xf32, #tpu.memory_space<hbm>> -> memref<4096xf32, #tpu.memory_space<hbm>>
      %dma_wait3A_77 = tpu.memref_slice %arg9[%dma_wait3A_70] : memref<2x!tpu.dma_semaphore, #tpu.memory_space<semaphore_mem>> -> memref<1x!tpu.dma_semaphore, #tpu.memory_space<semaphore_mem>>
      %dma_wait3A_78 = tpu.memref_squeeze %dma_wait3A_77 : memref<1x!tpu.dma_semaphore, #tpu.memory_space<semaphore_mem>> -> memref<!tpu.dma_semaphore, #tpu.memory_space<semaphore_mem>>
      %dma_wait3A_79 = arith.constant 0 : i32
      %dma_wait3A_80 = tpu.memref_slice %arg4[%add3A_9, %dma_wait3A_79] : memref<832x16384xf32, #tpu.memory_space<hbm>> -> memref<1x4096xf32, #tpu.memory_space<hbm>>
      %dma_wait3A_81 = tpu.memref_squeeze %dma_wait3A_80 : memref<1x4096xf32, #tpu.memory_space<hbm>> -> memref<4096xf32, #tpu.memory_space<hbm>>
      %dma_wait3A_82 = arith.constant 0 : i32
      %dma_wait3A_83 = tpu.memref_slice %arg7[%dma_wait3A_69, %dma_wait3A_82] : memref<2x4096xf32, #tpu.memory_space<vmem>> -> memref<1x4096xf32, #tpu.memory_space<vmem>>
      %dma_wait3A_84 = tpu.memref_squeeze %dma_wait3A_83 : memref<1x4096xf32, #tpu.memory_space<vmem>> -> memref<4096xf32, #tpu.memory_space<vmem>>
      tpu.wait_dma2 semaphore(%dma_wait3A_78 : memref<!tpu.dma_semaphore, #tpu.memory_space<semaphore_mem>>) src(%dma_wait3A_84 : memref<4096xf32, #tpu.memory_space<vmem>>) dst(%dma_wait3A_81 : memref<4096xf32, #tpu.memory_space<hbm>>)
      %parallel_loop3A_85 = arith.constant 0 : i32
      %parallel_loop3A_86 = arith.constant 256 : i32
      %parallel_loop3A_87 = arith.constant 1 : i32
      scf.for %parallel_loop3A_171 = %parallel_loop3A_85 to %parallel_loop3A_86 step %parallel_loop3A_87  : i32 {
        %parallel_loop3A_172 = arith.constant 16 : i32
        %parallel_loop3A_173 = arith.muli %parallel_loop3A_171, %parallel_loop3A_172 : i32
        %parallel_loop3A_174 = arith.constant 8192 : i32
        %parallel_loop3A_175 = arith.addi %parallel_loop3A_174, %parallel_loop3A_173 : i32
        %parallel_loop3A_176 = arith.index_cast %parallel_loop3A_175 : i32 to index
        %parallel_loop3A_177 = tpu.vector_load %arg6[%parallel_loop3A_176] {strides = array<i32>} : memref<16384xi32, #tpu.memory_space<vmem>>, vector<16xi32>,
        %parallel_loop3A_178 = tpu.vector_load_idx %arg5[%parallel_loop3A_177] : memref<100000xf32, #tpu.memory_space<vmem>>[vector<16xi32>], vector<16xf32>,
        %parallel_loop3A_179 = arith.constant 16 : i32
        %parallel_loop3A_180 = arith.muli %parallel_loop3A_171, %parallel_loop3A_179 : i32
        %parallel_loop3A_181 = arith.constant 0 : i32
        %parallel_loop3A_182 = arith.index_cast %parallel_loop3A_181 : i32 to index
        %parallel_loop3A_183 = arith.index_cast %parallel_loop3A_180 : i32 to index
        %parallel_loop3A_184 = tpu.vector_load %arg7[%parallel_loop3A_182, %parallel_loop3A_183] {strides = array<i32>} : memref<2x4096xf32, #tpu.memory_space<vmem>>, vector<16xf32>,
        tpu.vector_store %arg7[%parallel_loop3A_182, %parallel_loop3A_183], %parallel_loop3A_178 {strides = array<i32>} : memref<2x4096xf32, #tpu.memory_space<vmem>>, vector<16xf32>,
      } {sc.loop_unroll_factor = 8 : i64, sc.parallel_access}
      %dma_start3A_88 = arith.constant 0 : i32
      %dma_start3A_89 = arith.constant 0 : i32
      %dma_start3A_90 = arith.constant 0 : i32
      %dma_start3A_91 = tpu.memref_slice %arg7[%dma_start3A_88, %dma_start3A_90] : memref<2x4096xf32, #tpu.memory_space<vmem>> -> memref<1x4096xf32, #tpu.memory_space<vmem>>
      %dma_start3A_92 = tpu.memref_squeeze %dma_start3A_91 : memref<1x4096xf32, #tpu.memory_space<vmem>> -> memref<4096xf32, #tpu.memory_space<vmem>>
      %dma_start3A_93 = arith.constant 8192 : i32
      %dma_start3A_94 = tpu.memref_slice %arg4[%add3A_9, %dma_start3A_93] : memref<832x16384xf32, #tpu.memory_space<hbm>> -> memref<1x4096xf32, #tpu.memory_space<hbm>>
      %dma_start3A_95 = tpu.memref_squeeze %dma_start3A_94 : memref<1x4096xf32, #tpu.memory_space<hbm>> -> memref<4096xf32, #tpu.memory_space<hbm>>
      %dma_start3A_96 = tpu.memref_slice %arg9[%dma_start3A_89] : memref<2x!tpu.dma_semaphore, #tpu.memory_space<semaphore_mem>> -> memref<1x!tpu.dma_semaphore, #tpu.memory_space<semaphore_mem>>
      %dma_start3A_97 = tpu.memref_squeeze %dma_start3A_96 : memref<1x!tpu.dma_semaphore, #tpu.memory_space<semaphore_mem>> -> memref<!tpu.dma_semaphore, #tpu.memory_space<semaphore_mem>>
      %dma_start3A_98 = arith.constant 8192 : i32
      %dma_start3A_99 = tpu.memref_slice %arg4[%add3A_9, %dma_start3A_98] : memref<832x16384xf32, #tpu.memory_space<hbm>> -> memref<1x4096xf32, #tpu.memory_space<hbm>>
      %dma_start3A_100 = tpu.memref_squeeze %dma_start3A_99 : memref<1x4096xf32, #tpu.memory_space<hbm>> -> memref<4096xf32, #tpu.memory_space<hbm>>
      %dma_start3A_101 = arith.constant 0 : i32
      %dma_start3A_102 = tpu.memref_slice %arg7[%dma_start3A_88, %dma_start3A_101] : memref<2x4096xf32, #tpu.memory_space<vmem>> -> memref<1x4096xf32, #tpu.memory_space<vmem>>
      %dma_start3A_103 = tpu.memref_squeeze %dma_start3A_102 : memref<1x4096xf32, #tpu.memory_space<vmem>> -> memref<4096xf32, #tpu.memory_space<vmem>>
      tpu.enqueue_dma source(%dma_start3A_103 : memref<4096xf32, #tpu.memory_space<vmem>>) target(%dma_start3A_100 : memref<4096xf32, #tpu.memory_space<hbm>>) target_semaphore(%dma_start3A_97 : memref<!tpu.dma_semaphore, #tpu.memory_space<semaphore_mem>>)
      %dma_wait3A_104 = arith.constant 1 : i32
      %dma_wait3A_105 = arith.constant 1 : i32
      %dma_wait3A_106 = arith.constant 0 : i32
      %dma_wait3A_107 = tpu.memref_slice %arg7[%dma_wait3A_104, %dma_wait3A_106] : memref<2x4096xf32, #tpu.memory_space<vmem>> -> memref<1x4096xf32, #tpu.memory_space<vmem>>
      %dma_wait3A_108 = tpu.memref_squeeze %dma_wait3A_107 : memref<1x4096xf32, #tpu.memory_space<vmem>> -> memref<4096xf32, #tpu.memory_space<vmem>>
      %dma_wait3A_109 = arith.constant 4096 : i32
      %dma_wait3A_110 = tpu.memref_slice %arg4[%add3A_9, %dma_wait3A_109] : memref<832x16384xf32, #tpu.memory_space<hbm>> -> memref<1x4096xf32, #tpu.memory_space<hbm>>
      %dma_wait3A_111 = tpu.memref_squeeze %dma_wait3A_110 : memref<1x4096xf32, #tpu.memory_space<hbm>> -> memref<4096xf32, #tpu.memory_space<hbm>>
      %dma_wait3A_112 = tpu.memref_slice %arg9[%dma_wait3A_105] : memref<2x!tpu.dma_semaphore, #tpu.memory_space<semaphore_mem>> -> memref<1x!tpu.dma_semaphore, #tpu.memory_space<semaphore_mem>>
      %dma_wait3A_113 = tpu.memref_squeeze %dma_wait3A_112 : memref<1x!tpu.dma_semaphore, #tpu.memory_space<semaphore_mem>> -> memref<!tpu.dma_semaphore, #tpu.memory_space<semaphore_mem>>
      %dma_wait3A_114 = arith.constant 4096 : i32
      %dma_wait3A_115 = tpu.memref_slice %arg4[%add3A_9, %dma_wait3A_114] : memref<832x16384xf32, #tpu.memory_space<hbm>> -> memref<1x4096xf32, #tpu.memory_space<hbm>>
      %dma_wait3A_116 = tpu.memref_squeeze %dma_wait3A_115 : memref<1x4096xf32, #tpu.memory_space<hbm>> -> memref<4096xf32, #tpu.memory_space<hbm>>
      %dma_wait3A_117 = arith.constant 0 : i32
      %dma_wait3A_118 = tpu.memref_slice %arg7[%dma_wait3A_104, %dma_wait3A_117] : memref<2x4096xf32, #tpu.memory_space<vmem>> -> memref<1x4096xf32, #tpu.memory_space<vmem>>
      %dma_wait3A_119 = tpu.memref_squeeze %dma_wait3A_118 : memref<1x4096xf32, #tpu.memory_space<vmem>> -> memref<4096xf32, #tpu.memory_space<vmem>>
      tpu.wait_dma2 semaphore(%dma_wait3A_113 : memref<!tpu.dma_semaphore, #tpu.memory_space<semaphore_mem>>) src(%dma_wait3A_119 : memref<4096xf32, #tpu.memory_space<vmem>>) dst(%dma_wait3A_116 : memref<4096xf32, #tpu.memory_space<hbm>>)
      %parallel_loop3A_120 = arith.constant 0 : i32
      %parallel_loop3A_121 = arith.constant 256 : i32
      %parallel_loop3A_122 = arith.constant 1 : i32
      scf.for %parallel_loop3A_171 = %parallel_loop3A_120 to %parallel_loop3A_121 step %parallel_loop3A_122  : i32 {
        %parallel_loop3A_172 = arith.constant 16 : i32
        %parallel_loop3A_173 = arith.muli %parallel_loop3A_171, %parallel_loop3A_172 : i32
        %parallel_loop3A_174 = arith.constant 12288 : i32
        %parallel_loop3A_175 = arith.addi %parallel_loop3A_174, %parallel_loop3A_173 : i32
        %parallel_loop3A_176 = arith.index_cast %parallel_loop3A_175 : i32 to index
        %parallel_loop3A_177 = tpu.vector_load %arg6[%parallel_loop3A_176] {strides = array<i32>} : memref<16384xi32, #tpu.memory_space<vmem>>, vector<16xi32>,
        %parallel_loop3A_178 = tpu.vector_load_idx %arg5[%parallel_loop3A_177] : memref<100000xf32, #tpu.memory_space<vmem>>[vector<16xi32>], vector<16xf32>,
        %parallel_loop3A_179 = arith.constant 16 : i32
        %parallel_loop3A_180 = arith.muli %parallel_loop3A_171, %parallel_loop3A_179 : i32
        %parallel_loop3A_181 = arith.constant 1 : i32
        %parallel_loop3A_182 = arith.index_cast %parallel_loop3A_181 : i32 to index
        %parallel_loop3A_183 = arith.index_cast %parallel_loop3A_180 : i32 to index
        %parallel_loop3A_184 = tpu.vector_load %arg7[%parallel_loop3A_182, %parallel_loop3A_183] {strides = array<i32>} : memref<2x4096xf32, #tpu.memory_space<vmem>>, vector<16xf32>,
        tpu.vector_store %arg7[%parallel_loop3A_182, %parallel_loop3A_183], %parallel_loop3A_178 {strides = array<i32>} : memref<2x4096xf32, #tpu.memory_space<vmem>>, vector<16xf32>,
      } {sc.loop_unroll_factor = 8 : i64, sc.parallel_access}
      %dma_start3A_123 = arith.constant 1 : i32
      %dma_start3A_124 = arith.constant 1 : i32
      %dma_start3A_125 = arith.constant 0 : i32
      %dma_start3A_126 = tpu.memref_slice %arg7[%dma_start3A_123, %dma_start3A_125] : memref<2x4096xf32, #tpu.memory_space<vmem>> -> memref<1x4096xf32, #tpu.memory_space<vmem>>
      %dma_start3A_127 = tpu.memref_squeeze %dma_start3A_126 : memref<1x4096xf32, #tpu.memory_space<vmem>> -> memref<4096xf32, #tpu.memory_space<vmem>>
      %dma_start3A_128 = arith.constant 12288 : i32
      %dma_start3A_129 = tpu.memref_slice %arg4[%add3A_9, %dma_start3A_128] : memref<832x16384xf32, #tpu.memory_space<hbm>> -> memref<1x4096xf32, #tpu.memory_space<hbm>>
      %dma_start3A_130 = tpu.memref_squeeze %dma_start3A_129 : memref<1x4096xf32, #tpu.memory_space<hbm>> -> memref<4096xf32, #tpu.memory_space<hbm>>
      %dma_start3A_131 = tpu.memref_slice %arg9[%dma_start3A_124] : memref<2x!tpu.dma_semaphore, #tpu.memory_space<semaphore_mem>> -> memref<1x!tpu.dma_semaphore, #tpu.memory_space<semaphore_mem>>
      %dma_start3A_132 = tpu.memref_squeeze %dma_start3A_131 : memref<1x!tpu.dma_semaphore, #tpu.memory_space<semaphore_mem>> -> memref<!tpu.dma_semaphore, #tpu.memory_space<semaphore_mem>>
      %dma_start3A_133 = arith.constant 12288 : i32
      %dma_start3A_134 = tpu.memref_slice %arg4[%add3A_9, %dma_start3A_133] : memref<832x16384xf32, #tpu.memory_space<hbm>> -> memref<1x4096xf32, #tpu.memory_space<hbm>>
      %dma_start3A_135 = tpu.memref_squeeze %dma_start3A_134 : memref<1x4096xf32, #tpu.memory_space<hbm>> -> memref<4096xf32, #tpu.memory_space<hbm>>
      %dma_start3A_136 = arith.constant 0 : i32
      %dma_start3A_137 = tpu.memref_slice %arg7[%dma_start3A_123, %dma_start3A_136] : memref<2x4096xf32, #tpu.memory_space<vmem>> -> memref<1x4096xf32, #tpu.memory_space<vmem>>
      %dma_start3A_138 = tpu.memref_squeeze %dma_start3A_137 : memref<1x4096xf32, #tpu.memory_space<vmem>> -> memref<4096xf32, #tpu.memory_space<vmem>>
      tpu.enqueue_dma source(%dma_start3A_138 : memref<4096xf32, #tpu.memory_space<vmem>>) target(%dma_start3A_135 : memref<4096xf32, #tpu.memory_space<hbm>>) target_semaphore(%dma_start3A_132 : memref<!tpu.dma_semaphore, #tpu.memory_space<semaphore_mem>>)
      %dma_wait3A_139 = arith.constant 0 : i32
      %dma_wait3A_140 = arith.constant 0 : i32
      %dma_wait3A_141 = arith.constant 0 : i32
      %dma_wait3A_142 = tpu.memref_slice %arg7[%dma_wait3A_139, %dma_wait3A_141] : memref<2x4096xf32, #tpu.memory_space<vmem>> -> memref<1x4096xf32, #tpu.memory_space<vmem>>
      %dma_wait3A_143 = tpu.memref_squeeze %dma_wait3A_142 : memref<1x4096xf32, #tpu.memory_space<vmem>> -> memref<4096xf32, #tpu.memory_space<vmem>>
      %dma_wait3A_144 = arith.constant 8192 : i32
      %dma_wait3A_145 = tpu.memref_slice %arg4[%add3A_9, %dma_wait3A_144] : memref<832x16384xf32, #tpu.memory_space<hbm>> -> memref<1x4096xf32, #tpu.memory_space<hbm>>
      %dma_wait3A_146 = tpu.memref_squeeze %dma_wait3A_145 : memref<1x4096xf32, #tpu.memory_space<hbm>> -> memref<4096xf32, #tpu.memory_space<hbm>>
      %dma_wait3A_147 = tpu.memref_slice %arg9[%dma_wait3A_140] : memref<2x!tpu.dma_semaphore, #tpu.memory_space<semaphore_mem>> -> memref<1x!tpu.dma_semaphore, #tpu.memory_space<semaphore_mem>>
      %dma_wait3A_148 = tpu.memref_squeeze %dma_wait3A_147 : memref<1x!tpu.dma_semaphore, #tpu.memory_space<semaphore_mem>> -> memref<!tpu.dma_semaphore, #tpu.memory_space<semaphore_mem>>
      %dma_wait3A_149 = arith.constant 8192 : i32
      %dma_wait3A_150 = tpu.memref_slice %arg4[%add3A_9, %dma_wait3A_149] : memref<832x16384xf32, #tpu.memory_space<hbm>> -> memref<1x4096xf32, #tpu.memory_space<hbm>>
      %dma_wait3A_151 = tpu.memref_squeeze %dma_wait3A_150 : memref<1x4096xf32, #tpu.memory_space<hbm>> -> memref<4096xf32, #tpu.memory_space<hbm>>
      %dma_wait3A_152 = arith.constant 0 : i32
      %dma_wait3A_153 = tpu.memref_slice %arg7[%dma_wait3A_139, %dma_wait3A_152] : memref<2x4096xf32, #tpu.memory_space<vmem>> -> memref<1x4096xf32, #tpu.memory_space<vmem>>
      %dma_wait3A_154 = tpu.memref_squeeze %dma_wait3A_153 : memref<1x4096xf32, #tpu.memory_space<vmem>> -> memref<4096xf32, #tpu.memory_space<vmem>>
      tpu.wait_dma2 semaphore(%dma_wait3A_148 : memref<!tpu.dma_semaphore, #tpu.memory_space<semaphore_mem>>) src(%dma_wait3A_154 : memref<4096xf32, #tpu.memory_space<vmem>>) dst(%dma_wait3A_151 : memref<4096xf32, #tpu.memory_space<hbm>>)
      %dma_wait3A_155 = arith.constant 1 : i32
      %dma_wait3A_156 = arith.constant 1 : i32
      %dma_wait3A_157 = arith.constant 0 : i32
      %dma_wait3A_158 = tpu.memref_slice %arg7[%dma_wait3A_155, %dma_wait3A_157] : memref<2x4096xf32, #tpu.memory_space<vmem>> -> memref<1x4096xf32, #tpu.memory_space<vmem>>
      %dma_wait3A_159 = tpu.memref_squeeze %dma_wait3A_158 : memref<1x4096xf32, #tpu.memory_space<vmem>> -> memref<4096xf32, #tpu.memory_space<vmem>>
      %dma_wait3A_160 = arith.constant 12288 : i32
      %dma_wait3A_161 = tpu.memref_slice %arg4[%add3A_9, %dma_wait3A_160] : memref<832x16384xf32, #tpu.memory_space<hbm>> -> memref<1x4096xf32, #tpu.memory_space<hbm>>
      %dma_wait3A_162 = tpu.memref_squeeze %dma_wait3A_161 : memref<1x4096xf32, #tpu.memory_space<hbm>> -> memref<4096xf32, #tpu.memory_space<hbm>>
      %dma_wait3A_163 = tpu.memref_slice %arg9[%dma_wait3A_156] : memref<2x!tpu.dma_semaphore, #tpu.memory_space<semaphore_mem>> -> memref<1x!tpu.dma_semaphore, #tpu.memory_space<semaphore_mem>>
      %dma_wait3A_164 = tpu.memref_squeeze %dma_wait3A_163 : memref<1x!tpu.dma_semaphore, #tpu.memory_space<semaphore_mem>> -> memref<!tpu.dma_semaphore, #tpu.memory_space<semaphore_mem>>
      %dma_wait3A_165 = arith.constant 12288 : i32
      %dma_wait3A_166 = tpu.memref_slice %arg4[%add3A_9, %dma_wait3A_165] : memref<832x16384xf32, #tpu.memory_space<hbm>> -> memref<1x4096xf32, #tpu.memory_space<hbm>>
      %dma_wait3A_167 = tpu.memref_squeeze %dma_wait3A_166 : memref<1x4096xf32, #tpu.memory_space<hbm>> -> memref<4096xf32, #tpu.memory_space<hbm>>
      %dma_wait3A_168 = arith.constant 0 : i32
      %dma_wait3A_169 = tpu.memref_slice %arg7[%dma_wait3A_155, %dma_wait3A_168] : memref<2x4096xf32, #tpu.memory_space<vmem>> -> memref<1x4096xf32, #tpu.memory_space<vmem>>
      %dma_wait3A_170 = tpu.memref_squeeze %dma_wait3A_169 : memref<1x4096xf32, #tpu.memory_space<vmem>> -> memref<4096xf32, #tpu.memory_space<vmem>>
      tpu.wait_dma2 semaphore(%dma_wait3A_164 : memref<!tpu.dma_semaphore, #tpu.memory_space<semaphore_mem>>) src(%dma_wait3A_170 : memref<4096xf32, #tpu.memory_space<vmem>>) dst(%dma_wait3A_167 : memref<4096xf32, #tpu.memory_space<hbm>>)
    }
    %scan3A_5 = arith.constant 26 : i32
    return
  }
}

</mosaic_0001>

<sc_bundles>
// kernel: kernel.3.cloned.1.call-start
scs
__scs_entry_jumppad:
0x0: {  	(pc) =	sbr.rel $0x88, $3  }
0x1: {  	(tag) =	ssettag $0x0;
	lr =	simm.s32 $0x1  }
0x2: {  	[smem:$0x3F9F] =	sst lr;
	_ =	strace $0xD0000000  }
0x3: {  	_ = 	snop  }
0x4: {  	_ = 	snop  }
0x5: {  	_ = 	snop  }
0x6: {  	_ = 	snop  }
0x7: {  	_ = 	snop  }
__scs_overlays_trampoline_lowered:
0x8: {  	[smem:$0x3FAE] =	sst s0  }
0x9: {  	[smem:$0x3FAF] =	sst s1  }
0xa: {  	[smem:$0x3FB0] =	sst s2  }
0xb: {  	[smem:$0x3FB1] =	sst s3  }
0xc: {  	[smem:$0x3FB2] =	sst s4  }
0xd: {  	[smem:$0x3FB3] =	sst s5  }
0xe: {  	[smem:$0x3FB4] =	sst s6  }
0xf: {  	[smem:$0x3FB5] =	sst s7  }
0x10: {  	[smem:$0x3FB6] =	sst s8  }
0x11: {  	[smem:$0x3FB7] =	sst s9;
	s0 =	simm.s32 @!p0 $0x0  }
0x12: {  	s1 =	sld [smem:$0x3F9D];
	s0 =	simm.s32 @p0 $0x1  }
0x13: {  	[smem:$0x3FB8] =	sst s0;
	s0 =	simm.s32 @!p1 $0x0  }
0x14: {  	s2 =	sld [smem:$0x3F9C];
	s0 =	simm.s32 @p1 $0x1  }
0x15: {  	[smem:$0x3FB9] =	sst s0;
	s0 =	simm.s32 @!p2 $0x0  }
0x16: {  	s3 =	sld [smem:$0x3FDB];
	s0 =	simm.s32 @p2 $0x1  }
0x17: {  	s4 =	simm.s32 $0x1BF5;
	[smem:$0x3FBB] =	sst s0  }
0x18: {  	s0 =	sld [smem:$0x3F9E];
	_ =	swait.ge [sflag:s4], $0x0  }
0x19: {  	s7 =	sld [smem:$0x3F9F]  }
0x1a: {  	s8 =	sadd.s32 $0xFFFFE003, lr  }
0x1b: {  	s9 =	sadd.s32 $0xFFFFFEF7, lr;
	s5 =	simm.s32 $0xFFFFFFFF;
	p2 =	slt.u32 s8, $0xFFFFF086  }
0x1c: {  	p1 =	slt.u32 s9, $0xF7A;
	s5 =	simm.s32 @!p2 $0x0  }
0x1d: {  	s5 =	simm.s32 @p1 $0x1;
	p0 =	seq.s32 s7, s2  }
0x1e: {  	s7 =	smul.u32 @!p0 $0xF7A, s2;
	p2 =	seq.s32 @!p0 s5, $0x0  }
0x1f: {  	s9 =	smul.u32 $0xF7A, s1;
	s8 =	simm.s32 @!p0 $0x1BF5;
	p2 =	por !p2, p0  }
0x20: {  	[sflag:s8] =	ssyncset.s32 @!p0 $0xFFFFF086;
	s6 =	sadd.s32 @!p0 s3, s7;
	s7 =	simm.s32 @!p0 $0x108  }
0x21: {  	s3 =	sadd.s32 s3, s9;
	s6 =	sadd.s32 @!p0 $0x88, s6;
	s7 =	simm.s32 @p2 $0x1082  }
0x22: {  	[simem:s7], [sflag:s8] =	dma.local @!p0 [hbm:s6], $0xF7A  }
0x23: {  	s9 =	sor.u32 $0xD0000000, s2;
	s6 =	simm.s32 $0x108;
	_ =	swait.ge @!p0 [sflag:s8], $0x0  }
0x24: {  	s3 =	sadd.s32 $0x88, s3;
	s6 =	simm.s32 @!p1 $0x1082;
	[sflag:s4] =	ssyncset.s32 $0xFFFFF086  }
0x25: {  	[simem:s6], [sflag:s4] =	dma.local [hbm:s3], $0xF7A  }
0x26: {  	[smem:$0x3F9F] =	sst s1;
	(tag) =	ssettag s2;
	_ =	strace s9  }
0x27: {  	s1 =	sld [smem:$0x3FAF]  }
0x28: {  	s2 =	sld [smem:$0x3FB0]  }
0x29: {  	s4 =	sld [smem:$0x3FB2]  }
0x2a: {  	p0 =	seq.s32 s5, $0x0;
	s5 =	sld [smem:$0x3FB3]  }
0x2b: {  	s6 =	sld [smem:$0x3FB4]  }
0x2c: {  	s7 =	sld [smem:$0x3FB5]  }
0x2d: {  	s3 =	simm.s32 $0x108;
	s8 =	sld [smem:$0x3FB6]  }
0x2e: {  	s3 =	simm.s32 @!p0 $0x1082;
	s9 =	sld [smem:$0x3FB7]  }
0x2f: {  	lr =	sadd.s32 s0, s3;
	s0 =	sld [smem:$0x3FAE]  }
0x30: {  	s3 =	sld [smem:$0x3FB1]  }
0x31: {  	[smem:$0x3FBA] =	sst s10  }
0x32: {  	s10 =	sld [smem:$0x3FB8];
	_ =	sdelay $0x3  }
0x33: {  	p0 =	seq.s32 s10, $0x1;
	s10 =	sld [smem:$0x3FBA];
	_ =	sdelay $0x3  }
0x34: {  	[smem:$0x3FBA] =	sst s10  }
0x35: {  	s10 =	sld [smem:$0x3FB9];
	_ =	sdelay $0x3  }
0x36: {  	p1 =	seq.s32 s10, $0x1;
	s10 =	sld [smem:$0x3FBA];
	_ =	sdelay $0x3  }
0x37: {  	[smem:$0x3FBA] =	sst s10  }
0x38: {  	s10 =	sld [smem:$0x3FBB]  }
0x39: {  	_ = 	snop;
	(pc) =	sbr.ind lr, $3  }
0x3a: {  	_ = 	snop  }
0x3b: {  	_ = 	snop  }
0x3c: {  	p2 =	seq.s32 s10, $0x1;
	s10 =	sld [smem:$0x3FBA]  }
0x3d: {  	_ =	shalt  }
0x3e: {  	_ =	shalt  }
0x3f: {  	_ =	shalt  }
0x40: {  	_ =	shalt  }
0x41: {  	_ =	shalt  }
0x42: {  	_ =	shalt  }
0x43: {  	_ =	shalt  }
0x44: {  	_ =	shalt  }
0x45: {  	_ =	shalt  }
0x46: {  	_ =	shalt  }
0x47: {  	_ =	shalt  }
0x48: {  	_ =	shalt  }
0x49: {  	_ =	shalt  }
0x4a: {  	_ =	shalt  }
0x4b: {  	_ =	shalt  }
0x4c: {  	_ =	shalt  }
0x4d: {  	_ =	shalt  }
0x4e: {  	_ =	shalt  }
0x4f: {  	_ =	shalt  }
0x50: {  	_ =	shalt  }
0x51: {  	_ =	shalt  }
0x52: {  	_ =	shalt  }
0x53: {  	_ =	shalt  }
0x54: {  	_ =	shalt  }
0x55: {  	_ =	shalt  }
0x56: {  	_ =	shalt  }
0x57: {  	_ =	shalt  }
0x58: {  	_ =	shalt  }
0x59: {  	_ =	shalt  }
0x5a: {  	_ =	shalt  }
0x5b: {  	_ =	shalt  }
0x5c: {  	_ =	shalt  }
0x5d: {  	_ =	shalt  }
0x5e: {  	_ =	shalt  }
0x5f: {  	_ =	shalt  }
0x60: {  	_ =	shalt  }
0x61: {  	_ =	shalt  }
0x62: {  	_ =	shalt  }
0x63: {  	_ =	shalt  }
0x64: {  	_ =	shalt  }
0x65: {  	_ =	shalt  }
0x66: {  	_ =	shalt  }
0x67: {  	_ =	shalt  }
0x68: {  	_ =	shalt  }
0x69: {  	_ =	shalt  }
0x6a: {  	_ =	shalt  }
0x6b: {  	_ =	shalt  }
0x6c: {  	_ =	shalt  }
0x6d: {  	_ =	shalt  }
0x6e: {  	_ =	shalt  }
0x6f: {  	_ =	shalt  }
0x70: {  	_ =	shalt  }
0x71: {  	_ =	shalt  }
0x72: {  	_ =	shalt  }
0x73: {  	_ =	shalt  }
0x74: {  	_ =	shalt  }
0x75: {  	_ =	shalt  }
0x76: {  	_ =	shalt  }
0x77: {  	_ =	shalt  }
0x78: {  	_ =	shalt  }
0x79: {  	_ =	shalt  }
0x7a: {  	_ =	shalt  }
0x7b: {  	_ =	shalt  }
0x7c: {  	_ =	shalt  }
0x7d: {  	_ =	shalt  }
0x7e: {  	_ =	shalt  }
0x7f: {  	_ =	shalt  }
0x80: {  	_ =	shalt  }
0x81: {  	_ =	shalt  }
0x82: {  	_ =	shalt  }
0x83: {  	_ =	shalt  }
0x84: {  	_ =	shalt  }
0x85: {  	_ =	shalt  }
0x86: {  	_ =	shalt  }
0x87: {  	_ =	shalt  }
.Lfunc_end0:
.L_simem_size_0:
called_computation_lowered:
.L_overlay_start_0:
0x88: {  	s2 =	sld [smem:$0x3FD9]  }
0x89: {  	s3 =	sld [smem:$0x3FFE];
	_ =	sdelay $0x1  }
0x8a: {  	s1 =	srdreg.scid  }
0x8b: {  	s0 =	sand.u32 $0x1, s1  }
0x8c: {  	s18 =	sshll.u32 s0, $0xA;
	s2 =	sadd.s32 s3, s2  }
0x8d: {  	s2 =	sadd.s32 s2, s18  }
0x8e: {  	[smem:$0x3FC6] =	sst s2  }
0x8f: {  	_ = 	snop  }
0x90: {  	s2 =	sld [smem:$0x3FC9]  }
0x91: {  	s19 =	sld [smem:$0x3FC8]  }
0x92: {  	s4 =	sld [smem:$0x3FD0];
	(tm) =	ssettm $0x1  }
0x93: {  	s5 =	sld [smem:$0x3FFB];
	_ =	sdelay $0x3  }
0x94: {  	_ =	strace s5  }
0x95: {  	s5 =	sld [smem:$0x3FFC];
	_ =	sdelay $0x3  }
0x96: {  	_ =	strace s5  }
0x97: {  	s5 =	sld [smem:$0x3FFD];
	_ =	sdelay $0x3  }
0x98: {  	_ =	strace s5  }
0x99: {  	_ =	strace $0x8FFFFFFF  }
0x9a: {  	s20 =	sld [smem:$0x3FDB];
	_ =	sdelay $0x1  }
0x9b: {  	s6 =	simm.s32 $_scs_section_size  }
0x9c: {  	s7 =	simm.s32 $_size__tile_overlayer_lowered;
	s8 =	simm.s32 $_tile_overlayer_lowered  }
0x9d: {  	s23 =	simm.s32 $0x1BFF;
	s22 =	sshll.u32 s8, $0x1;
	s5 =	sadd.s32 s6, s20  }
0x9e: {  	s9 =	simm.s32 $0x0;
	s21 =	sshll.u32 s7, $0x1;
	s7 =	sadd.s32 s22, s5  }
0x9f: {  	[timem:s9], [sflag:s23] =	dma.local [hbm:s7], s21  }
0xa0: {  	_ =	swait.ge [sflag:s23], s21  }
0xa1: {  	s6 =	ssub.s32 $0x0, s21;
	[sflag:s23] =	ssyncset.done $0x0  }
0xa2: {  	[sflag:s23] =	ssyncadd.s32 s6;
	_ =	sdelay $0x1  }
0xa3: {  	s24 =	simm.s32 $0x1B8B  }
0xa4: {  	_ =	swait.ge [sflag:s24], $0x1  }
0xa5: {  	[sflag:s24] =	ssyncset.done $0x0  }
0xa6: {  	s25 =	simm.s32 $0x1B8E;
	[sflag:s24] =	ssyncadd.s32 $0xFFFFFFFF  }
0xa7: {  	s26 =	simm.s32 $execute0_lowered;
	[smem:$0x3FD2] =	sst s25  }
0xa8: {  	s6 =	sshll.u32 s26, $0x1;
	_ =	strace $0x80000046;
	[dreg:$0x1] =	wrdreg $0xFFFFFFFF  }
0xa9: {  	s28 =	simm.s32 $_size_execute0_lowered;
	s5 =	sadd.s32 s5, s6;
	[dreg:$0x0] =	wrdreg $0x0  }
0xaa: {  	s6 =	sshll.u32 s28, $0x1;
	[dreg:$0x2] =	wrdreg s5  }
0xab: {  	[dreg:$0x3] =	wrdreg s6  }
0xac: {  	[dreg:$0x4] =	wrdreg $0xC0  }
0xad: {  	_ =	task [dreg:s9], $0x5FFFF  }
0xae: {  	[dreg:$0x1] =	wrdreg $0xFFFFFFFF  }
0xaf: {  	[dreg:$0x0] =	wrdreg $0x60  }
0xb0: {  	[dreg:$0x2] =	wrdreg s19  }
0xb1: {  	[dreg:$0x3] =	wrdreg s2  }
0xb2: {  	[dreg:$0x4] =	wrdreg s4  }
0xb3: {  	[dreg:$0x5] =	wrdreg $0x9  }
0xb4: {  	_ =	task.clear_ibuf [dreg:s9], $0x6FFFF;
	_ =	strace $0x90000046  }
0xb5: {  	s29 =	simm.s32 $0x9;
	_ =	strace $0x80000048  }
0xb6: {  	_ =	swait.ge [sflag:s29], $0x1  }
0xb7: {  	[sflag:s29] =	ssyncadd.s32 $0xFFFFFFFF  }
0xb8: {  	_ =	strace $0x90000048  }
0xb9: {  	_ =	sfence  }
0xba: {  	s30 =	sld [smem:$0x0];
	_ =	sdelay $0x2  }
0xbb: {  	s31 =	sshll.u32 s1, $0xD;
	s1 =	sshrl.u32 s1, $0x2  }
0xbc: {  	s3 =	sand.u32 $0x4000, s31;
	s1 =	sadd.s32 s1, s30  }
0xbd: {  	s0 =	sor.u32 s3, s0;
	s1 =	sshll.u32 s1, $0x11  }
0xbe: {  	s0 =	sor.u32 s1, s0  }
0xbf: {  	s0 =	sadd.s32 $0x8F2B, s0  }
0xc0: {  	[sflag:s0] =	ssyncadd.remote.s32 $0x1  }
0xc1: {  	_ =	sfence.sel $0xFFFF  }
0xc2: {  	[dreg:$0x0] =	wrdreg $0xFFFFFFFF;
	(pc) =	sbr.abs _section_cstart, $3  }
0xc3: {  	[dreg:$0x1] =	wrdreg $0xFFFFFFFF  }
0xc4: {  	_ =	task.clear_ibuf [dreg:s9], $0x2FFFF;
	_ =	strace $0x9FFFFFFF  }
0xc5: {  	(tm) =	ssettm $0x7FFFFFFF  }
tec
execute0_lowered:
.L_overlay_start_1:
0x0: {  	(tag) =	ssettag $0x1  }
0x1: {  	s1 =	rddreg [dreg:$0x0]  }
0x2: {  	s2 =	rddreg [dreg:$0x1]  }
0x3: {  	s3 =	rddreg [dreg:$0x2]  }
0x4: {  	s0 =	rddreg [dreg:$0x3];
	s5 =	simm.s32 $0x0;
	s6 =	srdreg.scid  }
0x5: {  	s4 =	stileid.u32;
	s13 =	simm.s32 $0x80;
	s14 =	simm.s32 $0x400  }
0x6: {  	s15 =	simm.s32 $0x18700;
	s16 =	simm.s32 $0x1;
	s17 =	simm.s32 $0x2  }
0x7: {  	s18 =	simm.s32 $0x3;
	s19 =	simm.s32 $0x0;
	[smem:$0x7FF] =	sst s5  }
0x8: {  	s6 =	sand.u32 $0x1, s6;
	s8 =	sshrl.u32 s4, $0x2;
	s9 =	sshll.u32 s4, $0x8  }
0x9: {  	s31 =	sshll.u32 s4, $0xF;
	s11 =	sadd.s32 $0x3000, s3;
	s7 =	ssub.s32 $0x2, s6  }
0xa: {  	s8 =	smul.u32 $0xC3800, s8;
	s6 =	sshll.u32 s6, $0x7;
	s9 =	sand.u32 $0x300, s9  }
0xb: {  	_ =	strace $0x80000047;
	s10 =	sshrl.u32 s7, $0x1;
	s6 =	sor.u32 s6, s9  }
0xc: {  	s9 =	sadd.s32 $0x1000, s3;
	s12 =	ssub.s32 s7, s10;
	s7 =	sor.u32 s6, s8  }
0xd: {  	s8 =	sand.u32 $0x60000, s31;
	s10 =	sadd.s32 $0x2000, s3;
	s12 =	smax.u32 s12, $0x1  }
.LBB2_1:
0xe: {  	s20 =	simm.s32 $0x0  }
.LBB2_2:
0xf: {  	s21 =	smul.u32 $0x30E000, s20;
	_ =	sdelay $0x1  }
0x10: {  	s21 =	sadd.s32 s7, s21  }
0x11: {  	s21 =	sshrl.u32 s21, $0x3  }
0x12: {  	s30 =	sshll.u32 s20, $0x4;
	s21 =	sadd.s32 s1, s21  }
0x13: {  	[tilespmem:s5], [sflag:$0x1] =	stream.strided.gather [hbm4b:s21+s13], $0x18700, s14, s13, $0x38;
	[tilespmem:$0x1E700] =	vst v63  }
0x14: {  	s22 =	sshll.u32 s20, $0xB;
	s21 =	sand.u32 $0x70, s30  }
0x15: {  	s22 =	sand.u32 $0xC000, s22;
	s21 =	sadd.s32 s2, s21  }
0x16: {  	s21 =	sadd.s32 s22, s21  }
0x17: {  	[tilespmem:s15], [sflag:$0x1] =	stream.strided.gather [hbm4b:s21+s13], $0x4000, s14, s13, $0x38;
	[tilespmem:$0x1E700] =	vst v63  }
0x18: {  	_ =	swait.ge [sflag:s16], $0x18700  }
0x19: {  	[sflag:s16] =	ssyncset.done $0x0  }
0x1a: {  	[sflag:s16] =	ssyncadd.s32 $0xFFFE7900  }
0x1b: {  	_ =	swait.ge [sflag:s16], $0x4000  }
0x1c: {  	[sflag:s16] =	ssyncset.done $0x0  }
0x1d: {  	s31 =	simm.s32 $0x18740;
	[sflag:s16] =	ssyncadd.s32 $0xFFFFC000  }
0x1e: {  	v0 =	vld [tilespmem:s31+$0x30]  }
0x1f: {  	v1 =	vld [tilespmem:s31+$0xFFFFFFD0]  }
0x20: {  	v2 =	vld [tilespmem:s31+$0xFFFFFFE0]  }
0x21: {  	v3 =	vld [tilespmem:s31+$0xFFFFFFF0]  }
0x22: {  	v6 =	vld [tilespmem:s31+$0x0]  }
0x23: {  	v7 =	vld [tilespmem:s31+$0x10]  }
0x24: {  	v8 =	vld [tilespmem:s31+$0x20]  }
0x25: {  	v9 =	vld [tilespmem:s31+$0xFFFFFFC0]  }
0x26: {  	v10 =	vld.idx.msk [tilespmem:v0+s5+$0x0], $0xffff  }
0x27: {  	v11 =	vld.idx.msk [tilespmem:v1+s5+$0x0], $0xffff  }
0x28: {  	v5 =	vld.idx.msk [tilespmem:v2+s5+$0x0], $0xffff  }
0x29: {  	v4 =	vld.idx.msk [tilespmem:v3+s5+$0x0], $0xffff  }
0x2a: {  	v3 =	vld.idx.msk [tilespmem:v6+s5+$0x0], $0xffff  }
0x2b: {  	s22 =	simm.s32 $0x1C740;
	v1 =	vld.idx.msk [tilespmem:v7+s5+$0x0], $0xffff  }
0x2c: {  	v0 =	vld.idx.msk [tilespmem:v8+s5+$0x0], $0xffff;
	[tilespmem:s22+$0x30] =	vst v10  }
0x2d: {  	s23 =	simm.s32 $0x187C0;
	s21 =	simm.s32 $0x0;
	v2 =	vld.idx.msk [tilespmem:v9+s5+$0x0], $0xffff;
	[tilespmem:s22+$0xFFFFFFD0] =	vst v11  }
.LBB2_3:
0x2e: {  	v6 =	vld [tilespmem:s23+$0x30];
	s21 =	sadd.s32 $0x8, s21;
	[tilespmem:s22+$0xFFFFFFE0] =	vst v5  }
0x2f: {  	v5 =	vld [tilespmem:s23+$0xFFFFFFD0];
	p0 =	slt.u32 s21, $0xF8;
	[tilespmem:s22+$0xFFFFFFF0] =	vst v4  }
0x30: {  	v4 =	vld [tilespmem:s23+$0xFFFFFFE0];
	[tilespmem:s22+$0x0] =	vst v3  }
0x31: {  	v3 =	vld [tilespmem:s23+$0xFFFFFFF0];
	[tilespmem:s22+$0x10] =	vst v1  }
0x32: {  	v1 =	vld [tilespmem:s23+$0x0];
	[tilespmem:s22+$0x20] =	vst v0  }
0x33: {  	v0 =	vld [tilespmem:s23+$0x10];
	[tilespmem:s22+$0xFFFFFFC0] =	vst v2  }
0x34: {  	v2 =	vld [tilespmem:s23+$0x20]  }
0x35: {  	v7 =	vld [tilespmem:s23+$0xFFFFFFC0]  }
0x36: {  	v6 =	vld.idx.msk [tilespmem:v6+s5+$0x0], $0xffff  }
0x37: {  	v8 =	vld.idx.msk [tilespmem:v5+s5+$0x0], $0xffff  }
0x38: {  	v5 =	vld.idx.msk [tilespmem:v4+s5+$0x0], $0xffff  }
.Ltmp0:
0x39: {  	v4 =	vld.idx.msk [tilespmem:v3+s5+$0x0], $0xffff;
	(pc) =	sbr.rel @p0 .LBB2_3-.Ltmp0, $4  }
0x3a: {  	v3 =	vld.idx.msk [tilespmem:v1+s5+$0x0], $0xffff  }
0x3b: {  	s22 =	sadd.s32 $0x100, s22;
	v1 =	vld.idx.msk [tilespmem:v0+s5+$0x0], $0xffff  }
0x3c: {  	v0 =	vld.idx.msk [tilespmem:v2+s5+$0x0], $0xffff;
	[tilespmem:s22+$0x30] =	vst v6  }
0x3d: {  	s23 =	sadd.s32 $0x80, s23;
	v2 =	vld.idx.msk [tilespmem:v7+s5+$0x0], $0xffff;
	[tilespmem:s22+$0xFFFFFFD0] =	vst v8  }
0x3e: {  	[tilespmem:s22+$0xFFFFFFE0] =	vst v5  }
0x3f: {  	[tilespmem:s22+$0xFFFFFFF0] =	vst v4;
	s21 =	sshll.u32 s20, $0x13  }
0x40: {  	[tilespmem:s22+$0x0] =	vst v3;
	s21 =	sor.u32 s21, s8  }
0x41: {  	[tilespmem:s22+$0x10] =	vst v1;
	s21 =	sor.u32 s6, s21  }
0x42: {  	[tilespmem:s22+$0x20] =	vst v0;
	s21 =	sshrl.u32 s21, $0x3  }
0x43: {  	s23 =	simm.s32 $0x0;
	s24 =	simm.s32 $0x1C700;
	[tilespmem:s22+$0xFFFFFFC0] =	vst v2;
	s22 =	sadd.s32 s3, s21  }
.LBB2_5:
0x44: {  	p0 =	sne.s32 s23, $0xF80  }
.Ltmp1:
0x45: {  	_ = 	snop;
	(pc) =	sbr.rel @p0 .LBB2_5-.Ltmp1, $4  }
0x46: {  	_ = 	snop  }
0x47: {  	s25 =	sadd.s32 s23, s22  }
0x48: {  	[hbm4b:s25+s5] =	stream.linear.scatter [tilespmem:s24], [sflag:$0x2], $0x80, $0x38;
	[tilespmem:$0x1E700] =	vst v63  }
0x49: {  	s23 =	sadd.s32 $0x80, s23;
	s24 =	sadd.s32 $0x100, s24  }
0x4a: {  	s22 =	simm.s32 $0x19770  }
0x4b: {  	v0 =	vld [tilespmem:s22+$0x0]  }
0x4c: {  	v1 =	vld [tilespmem:s22+$0xFFFFFFA0]  }
0x4d: {  	v2 =	vld [tilespmem:s22+$0xFFFFFFB0]  }
0x4e: {  	v3 =	vld [tilespmem:s22+$0xFFFFFFC0]  }
0x4f: {  	v6 =	vld [tilespmem:s22+$0xFFFFFFD0]  }
0x50: {  	v7 =	vld [tilespmem:s22+$0xFFFFFFE0]  }
0x51: {  	v8 =	vld [tilespmem:s22+$0xFFFFFFF0]  }
0x52: {  	v9 =	vld [tilespmem:s22+$0xFFFFFF90]  }
0x53: {  	v10 =	vld.idx.msk [tilespmem:v0+s5+$0x0], $0xffff  }
0x54: {  	v11 =	vld.idx.msk [tilespmem:v1+s5+$0x0], $0xffff  }
0x55: {  	v5 =	vld.idx.msk [tilespmem:v2+s5+$0x0], $0xffff  }
0x56: {  	v4 =	vld.idx.msk [tilespmem:v3+s5+$0x0], $0xffff  }
0x57: {  	v0 =	vld.idx.msk [tilespmem:v6+s5+$0x0], $0xffff  }
0x58: {  	s22 =	simm.s32 $0x1C7F0;
	v1 =	vld.idx.msk [tilespmem:v7+s5+$0x0], $0xffff  }
0x59: {  	v2 =	vld.idx.msk [tilespmem:v8+s5+$0x0], $0xffff;
	[tilespmem:s22+$0x0] =	vst v10  }
0x5a: {  	s23 =	simm.s32 $0x0;
	s24 =	simm.s32 $0x197F0;
	v3 =	vld.idx.msk [tilespmem:v9+s5+$0x0], $0xffff;
	[tilespmem:s22+$0xFFFFFFA0] =	vst v11  }
.LBB2_7:
0x5b: {  	v6 =	vld [tilespmem:s24+$0x0];
	s23 =	sadd.s32 $0x8, s23;
	[tilespmem:s22+$0xFFFFFFB0] =	vst v5  }
0x5c: {  	v5 =	vld [tilespmem:s24+$0xFFFFFFA0];
	p0 =	slt.u32 s23, $0xF8;
	[tilespmem:s22+$0xFFFFFFC0] =	vst v4  }
0x5d: {  	v4 =	vld [tilespmem:s24+$0xFFFFFFB0];
	[tilespmem:s22+$0xFFFFFFD0] =	vst v0  }
0x5e: {  	v0 =	vld [tilespmem:s24+$0xFFFFFFC0];
	[tilespmem:s22+$0xFFFFFFE0] =	vst v1  }
0x5f: {  	v1 =	vld [tilespmem:s24+$0xFFFFFFD0];
	[tilespmem:s22+$0xFFFFFFF0] =	vst v2  }
0x60: {  	v2 =	vld [tilespmem:s24+$0xFFFFFFE0];
	[tilespmem:s22+$0xFFFFFF90] =	vst v3  }
0x61: {  	v3 =	vld [tilespmem:s24+$0xFFFFFFF0]  }
0x62: {  	v7 =	vld [tilespmem:s24+$0xFFFFFF90]  }
0x63: {  	v6 =	vld.idx.msk [tilespmem:v6+s5+$0x0], $0xffff  }
0x64: {  	v8 =	vld.idx.msk [tilespmem:v5+s5+$0x0], $0xffff  }
0x65: {  	v5 =	vld.idx.msk [tilespmem:v4+s5+$0x0], $0xffff  }
.Ltmp2:
0x66: {  	v4 =	vld.idx.msk [tilespmem:v0+s5+$0x0], $0xffff;
	(pc) =	sbr.rel @p0 .LBB2_7-.Ltmp2, $4  }
0x67: {  	v0 =	vld.idx.msk [tilespmem:v1+s5+$0x0], $0xffff  }
0x68: {  	s22 =	sadd.s32 $0x100, s22;
	v1 =	vld.idx.msk [tilespmem:v2+s5+$0x0], $0xffff  }
0x69: {  	v2 =	vld.idx.msk [tilespmem:v3+s5+$0x0], $0xffff;
	[tilespmem:s22+$0x0] =	vst v6  }
0x6a: {  	s24 =	sadd.s32 $0x80, s24;
	v3 =	vld.idx.msk [tilespmem:v7+s5+$0x0], $0xffff;
	[tilespmem:s22+$0xFFFFFFA0] =	vst v8  }
0x6b: {  	[tilespmem:s22+$0xFFFFFFB0] =	vst v5  }
0x6c: {  	[tilespmem:s22+$0xFFFFFFC0] =	vst v4  }
0x6d: {  	[tilespmem:s22+$0xFFFFFFD0] =	vst v0  }
0x6e: {  	[tilespmem:s22+$0xFFFFFFE0] =	vst v1  }
0x6f: {  	s23 =	sadd.s32 s21, s9;
	s24 =	simm.s32 $0x1C780;
	[tilespmem:s22+$0xFFFFFFF0] =	vst v2  }
0x70: {  	s25 =	simm.s32 $0x1C880;
	s26 =	sadd.s32 $0x0, s23;
	[tilespmem:s22+$0xFFFFFF90] =	vst v3;
	s22 =	simm.s32 $0x80  }
.LBB2_9:
0x71: {  	[hbm4b:s26+s5] =	stream.linear.scatter [tilespmem:s24], [sflag:$0x3], $0x80, $0x38;
	[tilespmem:$0x1E700] =	vst v63  }
0x72: {  	s26 =	smov.u32 s22;
	s24 =	smov.u32 s25;
	p0 =	sne.s32 s22, $0xF80  }
.Ltmp3:
0x73: {  	s22 =	sadd.s32 $0x80, s22;
	(pc) =	sbr.rel @p0 .LBB2_9-.Ltmp3, $2  }
0x74: {  	_ =	sdelay $0x2  }
0x75: {  	s25 =	sadd.s32 $0x100, s25;
	s26 =	sadd.s32 s26, s23  }
0x76: {  	[hbm4b:s26+s5] =	stream.linear.scatter [tilespmem:s24], [sflag:$0x3], $0x80, $0x38;
	[tilespmem:$0x1E700] =	vst v63  }
0x77: {  	_ =	swait.ge [sflag:s17], $0x1000  }
0x78: {  	[sflag:s17] =	ssyncset.done $0x0  }
0x79: {  	s22 =	simm.s32 $0x1A770;
	[sflag:s17] =	ssyncadd.s32 $0xFFFFF000  }
0x7a: {  	v0 =	vld [tilespmem:s22+$0x0]  }
0x7b: {  	v1 =	vld [tilespmem:s22+$0xFFFFFFA0]  }
0x7c: {  	v2 =	vld [tilespmem:s22+$0xFFFFFFB0]  }
0x7d: {  	v3 =	vld [tilespmem:s22+$0xFFFFFFC0]  }
0x7e: {  	v6 =	vld [tilespmem:s22+$0xFFFFFFD0]  }
0x7f: {  	v7 =	vld [tilespmem:s22+$0xFFFFFFE0]  }
0x80: {  	v8 =	vld [tilespmem:s22+$0xFFFFFFF0]  }
0x81: {  	v9 =	vld [tilespmem:s22+$0xFFFFFF90]  }
0x82: {  	v10 =	vld.idx.msk [tilespmem:v0+s5+$0x0], $0xffff  }
0x83: {  	v11 =	vld.idx.msk [tilespmem:v1+s5+$0x0], $0xffff  }
0x84: {  	v5 =	vld.idx.msk [tilespmem:v2+s5+$0x0], $0xffff  }
0x85: {  	v4 =	vld.idx.msk [tilespmem:v3+s5+$0x0], $0xffff  }
0x86: {  	v0 =	vld.idx.msk [tilespmem:v6+s5+$0x0], $0xffff  }
0x87: {  	s22 =	simm.s32 $0x1C740;
	v1 =	vld.idx.msk [tilespmem:v7+s5+$0x0], $0xffff  }
0x88: {  	v2 =	vld.idx.msk [tilespmem:v8+s5+$0x0], $0xffff;
	[tilespmem:s22+$0x30] =	vst v10  }
0x89: {  	s23 =	simm.s32 $0x0;
	s24 =	simm.s32 $0x1A7F0;
	v3 =	vld.idx.msk [tilespmem:v9+s5+$0x0], $0xffff;
	[tilespmem:s22+$0xFFFFFFD0] =	vst v11  }
.LBB2_11:
0x8a: {  	v6 =	vld [tilespmem:s24+$0x0];
	s23 =	sadd.s32 $0x8, s23;
	[tilespmem:s22+$0xFFFFFFE0] =	vst v5  }
0x8b: {  	v5 =	vld [tilespmem:s24+$0xFFFFFFA0];
	p0 =	slt.u32 s23, $0xF8;
	[tilespmem:s22+$0xFFFFFFF0] =	vst v4  }
0x8c: {  	v4 =	vld [tilespmem:s24+$0xFFFFFFB0];
	[tilespmem:s22+$0x0] =	vst v0  }
0x8d: {  	v0 =	vld [tilespmem:s24+$0xFFFFFFC0];
	[tilespmem:s22+$0x10] =	vst v1  }
0x8e: {  	v1 =	vld [tilespmem:s24+$0xFFFFFFD0];
	[tilespmem:s22+$0x20] =	vst v2  }
0x8f: {  	v2 =	vld [tilespmem:s24+$0xFFFFFFE0];
	[tilespmem:s22+$0xFFFFFFC0] =	vst v3  }
0x90: {  	v3 =	vld [tilespmem:s24+$0xFFFFFFF0]  }
0x91: {  	v7 =	vld [tilespmem:s24+$0xFFFFFF90]  }
0x92: {  	v6 =	vld.idx.msk [tilespmem:v6+s5+$0x0], $0xffff  }
0x93: {  	v8 =	vld.idx.msk [tilespmem:v5+s5+$0x0], $0xffff  }
0x94: {  	v5 =	vld.idx.msk [tilespmem:v4+s5+$0x0], $0xffff  }
.Ltmp4:
0x95: {  	v4 =	vld.idx.msk [tilespmem:v0+s5+$0x0], $0xffff;
	(pc) =	sbr.rel @p0 .LBB2_11-.Ltmp4, $4  }
0x96: {  	v0 =	vld.idx.msk [tilespmem:v1+s5+$0x0], $0xffff  }
0x97: {  	s22 =	sadd.s32 $0x100, s22;
	v1 =	vld.idx.msk [tilespmem:v2+s5+$0x0], $0xffff  }
0x98: {  	v2 =	vld.idx.msk [tilespmem:v3+s5+$0x0], $0xffff;
	[tilespmem:s22+$0x30] =	vst v6  }
0x99: {  	s24 =	sadd.s32 $0x80, s24;
	v3 =	vld.idx.msk [tilespmem:v7+s5+$0x0], $0xffff;
	[tilespmem:s22+$0xFFFFFFD0] =	vst v8  }
0x9a: {  	[tilespmem:s22+$0xFFFFFFE0] =	vst v5  }
0x9b: {  	[tilespmem:s22+$0xFFFFFFF0] =	vst v4  }
0x9c: {  	[tilespmem:s22+$0x0] =	vst v0  }
0x9d: {  	[tilespmem:s22+$0x10] =	vst v1  }
0x9e: {  	s23 =	sadd.s32 s21, s10;
	s24 =	simm.s32 $0x1C700;
	[tilespmem:s22+$0x20] =	vst v2  }
0x9f: {  	s25 =	simm.s32 $0x1C800;
	s26 =	sadd.s32 $0x0, s23;
	[tilespmem:s22+$0xFFFFFFC0] =	vst v3;
	s22 =	simm.s32 $0x80  }
.LBB2_13:
0xa0: {  	[hbm4b:s26+s5] =	stream.linear.scatter [tilespmem:s24], [sflag:$0x2], $0x80, $0x38;
	[tilespmem:$0x1E700] =	vst v63  }
0xa1: {  	s26 =	smov.u32 s22;
	s24 =	smov.u32 s25;
	p0 =	sne.s32 s22, $0xF80  }
.Ltmp5:
0xa2: {  	s22 =	sadd.s32 $0x80, s22;
	(pc) =	sbr.rel @p0 .LBB2_13-.Ltmp5, $2  }
0xa3: {  	_ =	sdelay $0x2  }
0xa4: {  	s25 =	sadd.s32 $0x100, s25;
	s26 =	sadd.s32 s26, s23  }
0xa5: {  	[hbm4b:s26+s5] =	stream.linear.scatter [tilespmem:s24], [sflag:$0x2], $0x80, $0x38;
	[tilespmem:$0x1E700] =	vst v63  }
0xa6: {  	_ =	swait.ge [sflag:s18], $0x1000  }
0xa7: {  	[sflag:s18] =	ssyncset.done $0x0  }
0xa8: {  	s22 =	simm.s32 $0x1B770;
	[sflag:s18] =	ssyncadd.s32 $0xFFFFF000  }
0xa9: {  	v0 =	vld [tilespmem:s22+$0x0]  }
0xaa: {  	v1 =	vld [tilespmem:s22+$0xFFFFFFA0]  }
0xab: {  	v2 =	vld [tilespmem:s22+$0xFFFFFFB0]  }
0xac: {  	v3 =	vld [tilespmem:s22+$0xFFFFFFC0]  }
0xad: {  	v6 =	vld [tilespmem:s22+$0xFFFFFFD0]  }
0xae: {  	v7 =	vld [tilespmem:s22+$0xFFFFFFE0]  }
0xaf: {  	v8 =	vld [tilespmem:s22+$0xFFFFFFF0]  }
0xb0: {  	v9 =	vld [tilespmem:s22+$0xFFFFFF90]  }
0xb1: {  	v10 =	vld.idx.msk [tilespmem:v0+s5+$0x0], $0xffff  }
0xb2: {  	v11 =	vld.idx.msk [tilespmem:v1+s5+$0x0], $0xffff  }
0xb3: {  	v5 =	vld.idx.msk [tilespmem:v2+s5+$0x0], $0xffff  }
0xb4: {  	v4 =	vld.idx.msk [tilespmem:v3+s5+$0x0], $0xffff  }
0xb5: {  	v0 =	vld.idx.msk [tilespmem:v6+s5+$0x0], $0xffff  }
0xb6: {  	s22 =	simm.s32 $0x1C7F0;
	v1 =	vld.idx.msk [tilespmem:v7+s5+$0x0], $0xffff  }
0xb7: {  	v2 =	vld.idx.msk [tilespmem:v8+s5+$0x0], $0xffff;
	[tilespmem:s22+$0x0] =	vst v10  }
0xb8: {  	s23 =	simm.s32 $0x0;
	s24 =	simm.s32 $0x1B7F0;
	v3 =	vld.idx.msk [tilespmem:v9+s5+$0x0], $0xffff;
	[tilespmem:s22+$0xFFFFFFA0] =	vst v11  }
.LBB2_15:
0xb9: {  	v6 =	vld [tilespmem:s24+$0x0];
	s23 =	sadd.s32 $0x8, s23;
	[tilespmem:s22+$0xFFFFFFB0] =	vst v5  }
0xba: {  	v5 =	vld [tilespmem:s24+$0xFFFFFFA0];
	p0 =	slt.u32 s23, $0xF8;
	[tilespmem:s22+$0xFFFFFFC0] =	vst v4  }
0xbb: {  	v4 =	vld [tilespmem:s24+$0xFFFFFFB0];
	[tilespmem:s22+$0xFFFFFFD0] =	vst v0  }
0xbc: {  	v0 =	vld [tilespmem:s24+$0xFFFFFFC0];
	[tilespmem:s22+$0xFFFFFFE0] =	vst v1  }
0xbd: {  	v1 =	vld [tilespmem:s24+$0xFFFFFFD0];
	[tilespmem:s22+$0xFFFFFFF0] =	vst v2  }
0xbe: {  	v2 =	vld [tilespmem:s24+$0xFFFFFFE0];
	[tilespmem:s22+$0xFFFFFF90] =	vst v3  }
0xbf: {  	v3 =	vld [tilespmem:s24+$0xFFFFFFF0]  }
0xc0: {  	v7 =	vld [tilespmem:s24+$0xFFFFFF90]  }
0xc1: {  	v6 =	vld.idx.msk [tilespmem:v6+s5+$0x0], $0xffff  }
0xc2: {  	v8 =	vld.idx.msk [tilespmem:v5+s5+$0x0], $0xffff  }
0xc3: {  	v5 =	vld.idx.msk [tilespmem:v4+s5+$0x0], $0xffff  }
.Ltmp6:
0xc4: {  	v4 =	vld.idx.msk [tilespmem:v0+s5+$0x0], $0xffff;
	(pc) =	sbr.rel @p0 .LBB2_15-.Ltmp6, $4  }
0xc5: {  	v0 =	vld.idx.msk [tilespmem:v1+s5+$0x0], $0xffff  }
0xc6: {  	s22 =	sadd.s32 $0x100, s22;
	v1 =	vld.idx.msk [tilespmem:v2+s5+$0x0], $0xffff  }
0xc7: {  	v2 =	vld.idx.msk [tilespmem:v3+s5+$0x0], $0xffff;
	[tilespmem:s22+$0x0] =	vst v6  }
0xc8: {  	s24 =	sadd.s32 $0x80, s24;
	v3 =	vld.idx.msk [tilespmem:v7+s5+$0x0], $0xffff;
	[tilespmem:s22+$0xFFFFFFA0] =	vst v8  }
0xc9: {  	[tilespmem:s22+$0xFFFFFFB0] =	vst v5  }
0xca: {  	[tilespmem:s22+$0xFFFFFFC0] =	vst v4  }
0xcb: {  	[tilespmem:s22+$0xFFFFFFD0] =	vst v0  }
0xcc: {  	[tilespmem:s22+$0xFFFFFFE0] =	vst v1  }
0xcd: {  	s21 =	sadd.s32 s21, s11;
	s23 =	simm.s32 $0x1C780;
	[tilespmem:s22+$0xFFFFFFF0] =	vst v2  }
0xce: {  	s24 =	simm.s32 $0x1C880;
	s25 =	sadd.s32 $0x0, s21;
	[tilespmem:s22+$0xFFFFFF90] =	vst v3;
	s22 =	simm.s32 $0x80  }
.LBB2_17:
0xcf: {  	[hbm4b:s25+s5] =	stream.linear.scatter [tilespmem:s23], [sflag:$0x3], $0x80, $0x38;
	[tilespmem:$0x1E700] =	vst v63  }
0xd0: {  	s25 =	smov.u32 s22;
	s23 =	smov.u32 s24;
	p0 =	sne.s32 s22, $0xF80  }
.Ltmp7:
0xd1: {  	s22 =	sadd.s32 $0x80, s22;
	(pc) =	sbr.rel @p0 .LBB2_17-.Ltmp7, $2  }
0xd2: {  	_ =	sdelay $0x2  }
0xd3: {  	s24 =	sadd.s32 $0x100, s24;
	s25 =	sadd.s32 s25, s21  }
0xd4: {  	[hbm4b:s25+s5] =	stream.linear.scatter [tilespmem:s23], [sflag:$0x3], $0x80, $0x38;
	[tilespmem:$0x1E700] =	vst v63  }
0xd5: {  	s20 =	sadd.s32 $0x1, s20  }
0xd6: {  	_ =	swait.ge [sflag:s17], $0x1000;
	p0 =	sne.s32 s20, $0x1A  }
.Ltmp8:
0xd7: {  	[sflag:s17] =	ssyncset.done $0x0;
	(pc) =	sbr.rel @p0 .LBB2_2-.Ltmp8, $4  }
0xd8: {  	[sflag:s17] =	ssyncadd.s32 $0xFFFFF000  }
0xd9: {  	_ =	swait.ge [sflag:s18], $0x1000  }
0xda: {  	[sflag:s18] =	ssyncset.done $0x0  }
0xdb: {  	[sflag:s18] =	ssyncadd.s32 $0xFFFFF000  }
0xdc: {  	s19 =	sadd.s32 $0x1, s19  }
0xdd: {  	p0 =	sne.s32 s19, s12  }
.Ltmp9:
0xde: {  	_ = 	snop;
	(pc) =	sbr.rel @p0 .LBB2_1-.Ltmp9, $1  }
0xdf: {  	_ =	sdelay $0x3  }
0xe0: {  	_ =	sfence.sel $0x180000  }
0xe1: {  	[bflag:$0x0] =	sbarrier.arrive $0xFFFF  }
0xe2: {  	p0 =	sne.s32 s4, $0x0;
	_ =	strace $0x90000047  }
0xe3: {  	s0 =	sadd.s32 @!p0 $0x100000, s0;
	[bflag:$0x2] =	sbarrier.arrive $0xFFFF  }
0xe4: {  	[sflag:s0] =	ssyncadd.tile.s32 @!p0 $0x1;
	_ =	shalt  }
.Lfunc_end2:
_tile_overlayer_lowered:
.L_overlay_start_2:
0xe5: {  	(tag) =	ssettag $0x2  }
0xe6: {  	s0 =	rddreg [dreg:$0x0];
	s2 =	stileid.u32  }
0xe7: {  	s1 =	rddreg [dreg:$0x1];
	p0 =	sne.s32 s2, $0x0  }
0xe8: {  	s3 =	rddreg [dreg:$0x2];
	[bflag:$0x3] =	sbarrier.arrive $0xFFFF;
	s2 =	simm.s32 @!p0 $0x1C04  }
0xe9: {  	[timem:s3], [sflag:s2] =	dma.local @!p0 [hbm:s0], s1  }
0xea: {  	s0 =	simm.s32 @!p0 $0x4  }
0xeb: {  	_ =	swait.ge @!p0 [sflag:s0], s1  }
0xec: {  	s1 =	ssub.s32 @!p0 $0x0, s1;
	[sflag:s0] =	ssyncset.done @!p0 $0x0  }
0xed: {  	[sflag:s0] =	ssyncadd.s32 @!p0 s1  }
0xee: {  	[bflag:$0x3] =	sbarrier.arrive $0xFFFF  }
0xef: {  	_ =	shalt  }

</sc_bundles>
